<compile_context>
chip_gen: v7x
topology: tpu7x:2x2x1
jax: 0.10.2.dev20260603
libtpu: 0.0.44.dev20260713+nightly
codegen_flags: <defaults>
</compile_context>

<pallas_src>
import functools

import jax
import jax.numpy as jnp
from jax import lax
from jax.experimental import pallas as pl
from jax.experimental.pallas import tpu as pltpu
from jax.experimental.pallas import tpu_sc as plsc

EMBED = 1024
B, T = 1024, 50
N_TOK = B * T



def _proj_body(emb_ref, pos_ref, w_ref, b_ref, out_ref):
    a = emb_ref[...] + pos_ref[...]
    out_ref[...] = (
        lax.dot_general(
            a, w_ref[...],
            dimension_numbers=(((1,), (1,)), ((), ())),
            precision=lax.Precision.DEFAULT,
            preferred_element_type=jnp.float32,
        )
        + b_ref[...]
    )


def _project_table(emb_table, pos_table, W, b2d):
    return pl.pallas_call(
        _proj_body,
        out_shape=jax.ShapeDtypeStruct((EMBED, EMBED), jnp.float32),
    )(emb_table, pos_table, W, b2d)



_INFO = plsc.get_sparse_core_info()
_NC, _NS = _INFO.num_cores, _INFO.num_subcores
_NW = _NC * _NS
_PER_W = N_TOK // _NW
_CH = 32
_NCH = _PER_W // _CH
_NPAIR = _NCH // 2


def _gather_body(table_hbm, idx_hbm, out_hbm,
                 idx_all, ra, rb, gsa, gsb, ssa, ssb):
    wid = lax.axis_index("s") * _NC + lax.axis_index("c")
    base = wid * _PER_W
    pltpu.sync_copy(idx_hbm.at[pl.ds(base, _PER_W)], idx_all)

    def gstart(buf, sem, c):
        pltpu.async_copy(
            table_hbm.at[idx_all.at[pl.ds(c * _CH, _CH)]], buf, sem)

    def gwait(buf, sem):
        pltpu.make_async_copy(table_hbm.at[pl.ds(0, _CH)], buf, sem).wait()

    def wstart(buf, sem, c):
        pltpu.async_copy(buf, out_hbm.at[pl.ds(base + c * _CH, _CH)], sem)

    def wwait(buf, sem):
        pltpu.make_async_copy(
            buf, out_hbm.at[pl.ds(base, _CH)], sem).wait()

    gstart(ra, gsa, 0)

    def step(k, carry):
        @pl.when(k > 0)
        def _():
            wwait(rb, ssb)

        gstart(rb, gsb, 2 * k + 1)
        gwait(ra, gsa)
        wstart(ra, ssa, 2 * k)

        @pl.when(k < _NPAIR - 1)
        def _():
            wwait(ra, ssa)
            gstart(ra, gsa, 2 * k + 2)

        gwait(rb, gsb)
        wstart(rb, ssb, 2 * k + 1)
        return carry

    lax.fori_loop(0, _NPAIR, step, 0)
    wwait(ra, ssa)
    wwait(rb, ssb)


_gather = functools.partial(
    pl.kernel,
    out_type=jax.ShapeDtypeStruct((N_TOK, EMBED), jnp.float32),
    mesh=plsc.VectorSubcoreMesh(core_axis_name="c", subcore_axis_name="s"),
    scratch_types=[
        pltpu.VMEM((_PER_W,), jnp.int32),
        pltpu.VMEM((_CH, EMBED), jnp.float32),
        pltpu.VMEM((_CH, EMBED), jnp.float32),
        pltpu.SemaphoreType.DMA,
        pltpu.SemaphoreType.DMA,
        pltpu.SemaphoreType.DMA,
        pltpu.SemaphoreType.DMA,
    ],
)(_gather_body)


def kernel(x, emb_table, pos_table, W, b):
    proj = _project_table(emb_table, pos_table, W, b.reshape(1, EMBED))
    out = _gather(proj, x.reshape(-1))
    return out.reshape(B, T, EMBED)

# --- scband reference (transcript-rebuilt; emitter-appended) ---
"""Pipeline reference for scband-bigram-model-52432960750109 (READ-ONLY COPY).

The authoritative reference and input builder live on the scoring server;
editing this copy changes nothing except your own understanding.
"""

import jax, jax.numpy as jnp
import numpy as np

EMBED_SIZE = 1024
B, T = 1024, 50


def setup_inputs(seed: int = 0) -> dict:
    key = jax.random.key(seed)
    k_x, k_emb, k_pos, k_w, k_b = jax.random.split(key, 5)
    x = jax.random.randint(k_x, (B, T), 0, EMBED_SIZE, dtype=jnp.int32)
    emb_table = jax.random.normal(k_emb, (EMBED_SIZE, EMBED_SIZE), dtype=jnp.float32) * 0.02
    pos_table = jax.random.normal(k_pos, (EMBED_SIZE, 1), dtype=jnp.float32) * 0.02
    W = jax.random.normal(k_w, (EMBED_SIZE, EMBED_SIZE), dtype=jnp.float32) * (1.0 / np.sqrt(EMBED_SIZE))
    b = jnp.zeros((EMBED_SIZE,), dtype=jnp.float32)
    return {"x": x, "emb_table": emb_table, "pos_table": pos_table, "W": W, "b": b}


def reference(x, emb_table, pos_table, W, b):
    # out = self.embedding(x)  -> gather rows from [vocab, dim] table
    out = jnp.take(emb_table, x, axis=0)            # [B, T, EMBED_SIZE]
    # pos_embedding = self.pos_embeddings(x) -> gather from [vocab, 1] table
    pos_embedding = jnp.take(pos_table, x, axis=0)  # [B, T, 1]
    out = out + pos_embedding                        # broadcast add over last dim
    # out = self.project(out)  -> Linear: out @ W.T + b
    out = jnp.einsum('btd,od->bto', out, W) + b
    return out

if __name__ == "__main__":
    import jax
    _d = setup_inputs()
    print(jax.jit(kernel)(*tuple(_d.values())))

</pallas_src>

<mosaic_0001>
#map = affine_map<(d0, d1) -> (0, 0)>
#map1 = affine_map<(d0, d1) -> (0)>
module attributes {stable_mosaic.version = 14 : i64} {
  func.func @_gather_body(%arg0: i32, %arg1: i32, %arg2: memref<1024x1024xf32, #tpu.memory_space<hbm>>, %arg3: memref<51200xi32, #tpu.memory_space<hbm>>, %arg4: memref<51200x1024xf32, #tpu.memory_space<hbm>>, %arg5: memref<1600xi32, #tpu.memory_space<vmem>>, %arg6: memref<32x1024xf32, #tpu.memory_space<vmem>>, %arg7: memref<32x1024xf32, #tpu.memory_space<vmem>>, %arg8: memref<!tpu.dma_semaphore, #tpu.memory_space<semaphore_mem>>, %arg9: memref<!tpu.dma_semaphore, #tpu.memory_space<semaphore_mem>>, %arg10: memref<!tpu.dma_semaphore, #tpu.memory_space<semaphore_mem>>, %arg11: memref<!tpu.dma_semaphore, #tpu.memory_space<semaphore_mem>>) attributes {dimension_semantics = [#tpu.dimension_semantics<core_parallel>, #tpu.dimension_semantics<subcore_parallel>], iteration_bounds = array<i64: 2, 16>, scalar_prefetch = 0 : i64, scratch_operands = 7 : i64, tpu.core_type = #tpu.core_type<sc_vector_subcore>, window_params = [{transform_indices = #map}, {transform_indices = #map1}, {transform_indices = #map}]} {
    %mul3A = arith.constant 2 : i32
    %mul3A_0 = arith.muli %arg1, %mul3A : i32
    %add3A = arith.addi %mul3A_0, %arg0 : i32
    %mul3A_1 = arith.constant 1600 : i32
    %mul3A_2 = arith.muli %add3A, %mul3A_1 : i32
    "tpu.region"() ({
      %run_scoped3A = tpu.sem_alloc : memref<!tpu.dma_semaphore, #tpu.memory_space<semaphore_mem>>
      %dma_start3A_19 = tpu.memref_slice %arg3[%mul3A_2] : memref<51200xi32, #tpu.memory_space<hbm>> -> memref<1600xi32, #tpu.memory_space<hbm>>
      %dma_start3A_20 = tpu.memref_slice %arg3[%mul3A_2] : memref<51200xi32, #tpu.memory_space<hbm>> -> memref<1600xi32, #tpu.memory_space<hbm>>
      tpu.enqueue_dma source(%dma_start3A_20 : memref<1600xi32, #tpu.memory_space<hbm>>) target(%arg5 : memref<1600xi32, #tpu.memory_space<vmem>>) target_semaphore(%run_scoped3A : memref<!tpu.dma_semaphore, #tpu.memory_space<semaphore_mem>>)
      %dma_wait3A_21 = tpu.memref_slice %arg3[%mul3A_2] : memref<51200xi32, #tpu.memory_space<hbm>> -> memref<1600xi32, #tpu.memory_space<hbm>>
      %dma_wait3A_22 = tpu.memref_slice %arg3[%mul3A_2] : memref<51200xi32, #tpu.memory_space<hbm>> -> memref<1600xi32, #tpu.memory_space<hbm>>
      tpu.wait_dma2 semaphore(%run_scoped3A : memref<!tpu.dma_semaphore, #tpu.memory_space<semaphore_mem>>) src(%dma_wait3A_22 : memref<1600xi32, #tpu.memory_space<hbm>>) dst(%arg5 : memref<1600xi32, #tpu.memory_space<vmem>>)
      tpu.yield
    }) : () -> ()
    %dma_start3A = arith.constant 0 : i32
    %dma_start3A_3 = tpu.memref_slice %arg5[%dma_start3A] : memref<1600xi32, #tpu.memory_space<vmem>> -> memref<32xi32, #tpu.memory_space<vmem>>
    %dma_start3A_4 = arith.constant 0 : i32
    %dma_start3A_5 = arith.constant 0 : i32
    %dma_start3A_6 = tpu.memref_slice %arg2[%dma_start3A_4, %dma_start3A_5] : memref<1024x1024xf32, #tpu.memory_space<hbm>> -> memref<1024x1024xf32, #tpu.memory_space<hbm>>
    tpu.enqueue_indirect_dma source(%dma_start3A_6 : memref<1024x1024xf32, #tpu.memory_space<hbm>>) target(%arg6 : memref<32x1024xf32, #tpu.memory_space<vmem>>) offsets(%dma_start3A_3 : memref<32xi32, #tpu.memory_space<vmem>>) semaphore(%arg8 : memref<!tpu.dma_semaphore, #tpu.memory_space<semaphore_mem>>)
    %scan3A = arith.constant 0 : i32
    %scan3A_7 = arith.constant 0 : i32
    %scan3A_8 = arith.constant 25 : i32
    %scan3A_9 = arith.addi %scan3A_7, %scan3A_8 : i32
    %scan3A_10 = arith.constant 1 : i32
    scf.for %scan3A_19 = %scan3A_7 to %scan3A_9 step %scan3A_10  : i32 {
      %gt3A = arith.constant 0 : i32
      %gt3A_20 = arith.cmpi sgt, %scan3A_19, %gt3A : i32
      %convert_element_type3A = arith.extui %gt3A_20 : i1 to i32
      %cond3A = arith.constant 0 : i32
      %cond3A_21 = arith.cmpi ne, %convert_element_type3A, %cond3A : i32
      scf.if %cond3A_21 {
        %dma_wait3A_68 = arith.constant 0 : i32
        %dma_wait3A_69 = tpu.memref_slice %arg4[%mul3A_2, %dma_wait3A_68] : memref<51200x1024xf32, #tpu.memory_space<hbm>> -> memref<32x1024xf32, #tpu.memory_space<hbm>>
        %dma_wait3A_70 = arith.constant 0 : i32
        %dma_wait3A_71 = tpu.memref_slice %arg4[%mul3A_2, %dma_wait3A_70] : memref<51200x1024xf32, #tpu.memory_space<hbm>> -> memref<32x1024xf32, #tpu.memory_space<hbm>>
        tpu.wait_dma2 semaphore(%arg11 : memref<!tpu.dma_semaphore, #tpu.memory_space<semaphore_mem>>) src(%arg7 : memref<32x1024xf32, #tpu.memory_space<vmem>>) dst(%dma_wait3A_71 : memref<32x1024xf32, #tpu.memory_space<hbm>>)
      } else {
      }
      %mul3A_22 = arith.constant 2 : i32
      %mul3A_23 = arith.muli %mul3A_22, %scan3A_19 : i32
      %add3A_24 = arith.constant 1 : i32
      %add3A_25 = arith.addi %mul3A_23, %add3A_24 : i32
      %mul3A_26 = arith.constant 32 : i32
      %mul3A_27 = arith.muli %add3A_25, %mul3A_26 : i32
      %dma_start3A_28 = tpu.memref_slice %arg5[%mul3A_27] : memref<1600xi32, #tpu.memory_space<vmem>> -> memref<32xi32, #tpu.memory_space<vmem>>
      %dma_start3A_29 = arith.constant 0 : i32
      %dma_start3A_30 = arith.constant 0 : i32
      %dma_start3A_31 = tpu.memref_slice %arg2[%dma_start3A_29, %dma_start3A_30] : memref<1024x1024xf32, #tpu.memory_space<hbm>> -> memref<1024x1024xf32, #tpu.memory_space<hbm>>
      tpu.enqueue_indirect_dma source(%dma_start3A_31 : memref<1024x1024xf32, #tpu.memory_space<hbm>>) target(%arg7 : memref<32x1024xf32, #tpu.memory_space<vmem>>) offsets(%dma_start3A_28 : memref<32xi32, #tpu.memory_space<vmem>>) semaphore(%arg9 : memref<!tpu.dma_semaphore, #tpu.memory_space<semaphore_mem>>)
      %dma_wait3A_32 = arith.constant 0 : i32
      %dma_wait3A_33 = arith.constant 0 : i32
      %dma_wait3A_34 = tpu.memref_slice %arg2[%dma_wait3A_32, %dma_wait3A_33] : memref<1024x1024xf32, #tpu.memory_space<hbm>> -> memref<32x1024xf32, #tpu.memory_space<hbm>>
      %dma_wait3A_35 = arith.constant 0 : i32
      %dma_wait3A_36 = arith.constant 0 : i32
      %dma_wait3A_37 = tpu.memref_slice %arg2[%dma_wait3A_35, %dma_wait3A_36] : memref<1024x1024xf32, #tpu.memory_space<hbm>> -> memref<32x1024xf32, #tpu.memory_space<hbm>>
      tpu.wait_dma2 semaphore(%arg8 : memref<!tpu.dma_semaphore, #tpu.memory_space<semaphore_mem>>) src(%dma_wait3A_37 : memref<32x1024xf32, #tpu.memory_space<hbm>>) dst(%arg6 : memref<32x1024xf32, #tpu.memory_space<vmem>>)
      %mul3A_38 = arith.constant 2 : i32
      %mul3A_39 = arith.muli %mul3A_38, %scan3A_19 : i32
      %mul3A_40 = arith.constant 32 : i32
      %mul3A_41 = arith.muli %mul3A_39, %mul3A_40 : i32
      %add3A_42 = arith.addi %mul3A_2, %mul3A_41 : i32
      %dma_start3A_43 = arith.constant 0 : i32
      %dma_start3A_44 = tpu.memref_slice %arg4[%add3A_42, %dma_start3A_43] : memref<51200x1024xf32, #tpu.memory_space<hbm>> -> memref<32x1024xf32, #tpu.memory_space<hbm>>
      %dma_start3A_45 = arith.constant 0 : i32
      %dma_start3A_46 = tpu.memref_slice %arg4[%add3A_42, %dma_start3A_45] : memref<51200x1024xf32, #tpu.memory_space<hbm>> -> memref<32x1024xf32, #tpu.memory_space<hbm>>
      tpu.enqueue_dma source(%arg6 : memref<32x1024xf32, #tpu.memory_space<vmem>>) target(%dma_start3A_46 : memref<32x1024xf32, #tpu.memory_space<hbm>>) target_semaphore(%arg10 : memref<!tpu.dma_semaphore, #tpu.memory_space<semaphore_mem>>)
      %lt3A = arith.constant 24 : i32
      %lt3A_47 = arith.cmpi slt, %scan3A_19, %lt3A : i32
      %convert_element_type3A_48 = arith.extui %lt3A_47 : i1 to i32
      %cond3A_49 = arith.constant 0 : i32
      %cond3A_50 = arith.cmpi ne, %convert_element_type3A_48, %cond3A_49 : i32
      scf.if %cond3A_50 {
        %dma_wait3A_68 = arith.constant 0 : i32
        %dma_wait3A_69 = tpu.memref_slice %arg4[%mul3A_2, %dma_wait3A_68] : memref<51200x1024xf32, #tpu.memory_space<hbm>> -> memref<32x1024xf32, #tpu.memory_space<hbm>>
        %dma_wait3A_70 = arith.constant 0 : i32
        %dma_wait3A_71 = tpu.memref_slice %arg4[%mul3A_2, %dma_wait3A_70] : memref<51200x1024xf32, #tpu.memory_space<hbm>> -> memref<32x1024xf32, #tpu.memory_space<hbm>>
        tpu.wait_dma2 semaphore(%arg10 : memref<!tpu.dma_semaphore, #tpu.memory_space<semaphore_mem>>) src(%arg6 : memref<32x1024xf32, #tpu.memory_space<vmem>>) dst(%dma_wait3A_71 : memref<32x1024xf32, #tpu.memory_space<hbm>>)
        %mul3A_72 = arith.constant 2 : i32
        %mul3A_73 = arith.muli %mul3A_72, %scan3A_19 : i32
        %add3A_74 = arith.constant 2 : i32
        %add3A_75 = arith.addi %mul3A_73, %add3A_74 : i32
        %mul3A_76 = arith.constant 32 : i32
        %mul3A_77 = arith.muli %add3A_75, %mul3A_76 : i32
        %dma_start3A_78 = tpu.memref_slice %arg5[%mul3A_77] : memref<1600xi32, #tpu.memory_space<vmem>> -> memref<32xi32, #tpu.memory_space<vmem>>
        %dma_start3A_79 = arith.constant 0 : i32
        %dma_start3A_80 = arith.constant 0 : i32
        %dma_start3A_81 = tpu.memref_slice %arg2[%dma_start3A_79, %dma_start3A_80] : memref<1024x1024xf32, #tpu.memory_space<hbm>> -> memref<1024x1024xf32, #tpu.memory_space<hbm>>
        tpu.enqueue_indirect_dma source(%dma_start3A_81 : memref<1024x1024xf32, #tpu.memory_space<hbm>>) target(%arg6 : memref<32x1024xf32, #tpu.memory_space<vmem>>) offsets(%dma_start3A_78 : memref<32xi32, #tpu.memory_space<vmem>>) semaphore(%arg8 : memref<!tpu.dma_semaphore, #tpu.memory_space<semaphore_mem>>)
      } else {
      }
      %dma_wait3A_51 = arith.constant 0 : i32
      %dma_wait3A_52 = arith.constant 0 : i32
      %dma_wait3A_53 = tpu.memref_slice %arg2[%dma_wait3A_51, %dma_wait3A_52] : memref<1024x1024xf32, #tpu.memory_space<hbm>> -> memref<32x1024xf32, #tpu.memory_space<hbm>>
      %dma_wait3A_54 = arith.constant 0 : i32
      %dma_wait3A_55 = arith.constant 0 : i32
      %dma_wait3A_56 = tpu.memref_slice %arg2[%dma_wait3A_54, %dma_wait3A_55] : memref<1024x1024xf32, #tpu.memory_space<hbm>> -> memref<32x1024xf32, #tpu.memory_space<hbm>>
      tpu.wait_dma2 semaphore(%arg9 : memref<!tpu.dma_semaphore, #tpu.memory_space<semaphore_mem>>) src(%dma_wait3A_56 : memref<32x1024xf32, #tpu.memory_space<hbm>>) dst(%arg7 : memref<32x1024xf32, #tpu.memory_space<vmem>>)
      %mul3A_57 = arith.constant 2 : i32
      %mul3A_58 = arith.muli %mul3A_57, %scan3A_19 : i32
      %add3A_59 = arith.constant 1 : i32
      %add3A_60 = arith.addi %mul3A_58, %add3A_59 : i32
      %mul3A_61 = arith.constant 32 : i32
      %mul3A_62 = arith.muli %add3A_60, %mul3A_61 : i32
      %add3A_63 = arith.addi %mul3A_2, %mul3A_62 : i32
      %dma_start3A_64 = arith.constant 0 : i32
      %dma_start3A_65 = tpu.memref_slice %arg4[%add3A_63, %dma_start3A_64] : memref<51200x1024xf32, #tpu.memory_space<hbm>> -> memref<32x1024xf32, #tpu.memory_space<hbm>>
      %dma_start3A_66 = arith.constant 0 : i32
      %dma_start3A_67 = tpu.memref_slice %arg4[%add3A_63, %dma_start3A_66] : memref<51200x1024xf32, #tpu.memory_space<hbm>> -> memref<32x1024xf32, #tpu.memory_space<hbm>>
      tpu.enqueue_dma source(%arg7 : memref<32x1024xf32, #tpu.memory_space<vmem>>) target(%dma_start3A_67 : memref<32x1024xf32, #tpu.memory_space<hbm>>) target_semaphore(%arg11 : memref<!tpu.dma_semaphore, #tpu.memory_space<semaphore_mem>>)
    }
    %scan3A_11 = arith.constant 25 : i32
    %dma_wait3A = arith.constant 0 : i32
    %dma_wait3A_12 = tpu.memref_slice %arg4[%mul3A_2, %dma_wait3A] : memref<51200x1024xf32, #tpu.memory_space<hbm>> -> memref<32x1024xf32, #tpu.memory_space<hbm>>
    %dma_wait3A_13 = arith.constant 0 : i32
    %dma_wait3A_14 = tpu.memref_slice %arg4[%mul3A_2, %dma_wait3A_13] : memref<51200x1024xf32, #tpu.memory_space<hbm>> -> memref<32x1024xf32, #tpu.memory_space<hbm>>
    tpu.wait_dma2 semaphore(%arg10 : memref<!tpu.dma_semaphore, #tpu.memory_space<semaphore_mem>>) src(%arg6 : memref<32x1024xf32, #tpu.memory_space<vmem>>) dst(%dma_wait3A_14 : memref<32x1024xf32, #tpu.memory_space<hbm>>)
    %dma_wait3A_15 = arith.constant 0 : i32
    %dma_wait3A_16 = tpu.memref_slice %arg4[%mul3A_2, %dma_wait3A_15] : memref<51200x1024xf32, #tpu.memory_space<hbm>> -> memref<32x1024xf32, #tpu.memory_space<hbm>>
    %dma_wait3A_17 = arith.constant 0 : i32
    %dma_wait3A_18 = tpu.memref_slice %arg4[%mul3A_2, %dma_wait3A_17] : memref<51200x1024xf32, #tpu.memory_space<hbm>> -> memref<32x1024xf32, #tpu.memory_space<hbm>>
    tpu.wait_dma2 semaphore(%arg11 : memref<!tpu.dma_semaphore, #tpu.memory_space<semaphore_mem>>) src(%arg7 : memref<32x1024xf32, #tpu.memory_space<vmem>>) dst(%dma_wait3A_18 : memref<32x1024xf32, #tpu.memory_space<hbm>>)
    return
  }
}

module attributes {stable_mosaic.version = 14 : i64} {
  func.func @_proj_body(%arg0: memref<1024x1024xf32, #tpu.memory_space<vmem>>, %arg1: memref<1024x1xf32, #tpu.memory_space<vmem>>, %arg2: memref<1024x1024xf32, #tpu.memory_space<vmem>>, %arg3: memref<1x1024xf32, #tpu.memory_space<vmem>>, %arg4: memref<1024x1024xf32, #tpu.memory_space<vmem>>) attributes {dimension_semantics = [], scalar_prefetch = 0 : i64, scratch_operands = 0 : i64, tpu.core_type = #tpu.core_type<tc>} {
    %get3A = arith.constant 0 : index
    %get3A_0 = arith.constant 0 : index
    %get3A_1 = vector.load %arg0[%get3A, %get3A_0] : memref<1024x1024xf32, #tpu.memory_space<vmem>>, vector<1024x1024xf32>
    %get3A_2 = arith.constant 0 : index
    %get3A_3 = arith.constant 0 : index
    %get3A_4 = vector.load %arg1[%get3A_2, %get3A_3] : memref<1024x1xf32, #tpu.memory_space<vmem>>, vector<1024x1xf32>
    %add3A = vector.broadcast %get3A_4 : vector<1024x1xf32> to vector<1024x1024xf32>
    %add3A_5 = arith.addf %get3A_1, %add3A : vector<1024x1024xf32>
    %get3A_6 = arith.constant 0 : index
    %get3A_7 = arith.constant 0 : index
    %get3A_8 = vector.load %arg2[%get3A_6, %get3A_7] : memref<1024x1024xf32, #tpu.memory_space<vmem>>, vector<1024x1024xf32>
    %dot_general3A = arith.constant dense<0.000000e+00> : vector<1024x1024xf32>
    %dot_general3A_9 = tpu.matmul %add3A_5, %get3A_8, %dot_general3A {dimension_numbers = #tpu.dot_dimension_numbers<[1], [1], [0], [0], [0, 0, 1, 0], [], []>, transpose_lhs_hint = false} : vector<1024x1024xf32>, vector<1024x1024xf32>, vector<1024x1024xf32> -> vector<1024x1024xf32>
    %get3A_10 = arith.constant 0 : index
    %get3A_11 = arith.constant 0 : index
    %get3A_12 = vector.load %arg3[%get3A_10, %get3A_11] : memref<1x1024xf32, #tpu.memory_space<vmem>>, vector<1x1024xf32>
    %add3A_13 = vector.broadcast %get3A_12 : vector<1x1024xf32> to vector<1024x1024xf32>
    %add3A_14 = arith.addf %dot_general3A_9, %add3A_13 : vector<1024x1024xf32>
    %swap3A = arith.constant 0 : index
    %swap3A_15 = arith.constant 0 : index
    %swap3A_16 = vector.load %arg4[%swap3A, %swap3A_15] : memref<1024x1024xf32, #tpu.memory_space<vmem>>, vector<1024x1024xf32>
    tpu.vector_store %arg4[%swap3A, %swap3A_15], %add3A_14 {strides = array<i32>} : memref<1024x1024xf32, #tpu.memory_space<vmem>>, vector<1024x1024xf32>,
    return
  }
}

</mosaic_0001>

<sc_bundles>
// kernel: kernel.4.cloned.1.call-start
scs
__scs_entry_jumppad:
0x0: {  	(pc) =	sbr.rel $0x88, $3  }
0x1: {  	(tag) =	ssettag $0x0;
	lr =	simm.s32 $0x1  }
0x2: {  	[smem:$0x3F9C] =	sst lr;
	_ =	strace $0xD0000000  }
0x3: {  	_ = 	snop  }
0x4: {  	_ = 	snop  }
0x5: {  	_ = 	snop  }
0x6: {  	_ = 	snop  }
0x7: {  	_ = 	snop  }
__scs_overlays_trampoline_lowered:
0x8: {  	[smem:$0x3FAB] =	sst s0  }
0x9: {  	[smem:$0x3FAC] =	sst s1  }
0xa: {  	[smem:$0x3FAD] =	sst s2  }
0xb: {  	[smem:$0x3FAE] =	sst s3  }
0xc: {  	[smem:$0x3FAF] =	sst s4  }
0xd: {  	[smem:$0x3FB0] =	sst s5  }
0xe: {  	[smem:$0x3FB1] =	sst s6  }
0xf: {  	[smem:$0x3FB2] =	sst s7  }
0x10: {  	[smem:$0x3FB3] =	sst s8  }
0x11: {  	[smem:$0x3FB4] =	sst s9;
	s0 =	simm.s32 @!p0 $0x0  }
0x12: {  	s1 =	sld [smem:$0x3F9A];
	s0 =	simm.s32 @p0 $0x1  }
0x13: {  	[smem:$0x3FB5] =	sst s0;
	s0 =	simm.s32 @!p1 $0x0  }
0x14: {  	s2 =	sld [smem:$0x3F99];
	s0 =	simm.s32 @p1 $0x1  }
0x15: {  	[smem:$0x3FB6] =	sst s0;
	s0 =	simm.s32 @!p2 $0x0  }
0x16: {  	s3 =	sld [smem:$0x3FDB];
	s0 =	simm.s32 @p2 $0x1  }
0x17: {  	s4 =	simm.s32 $0x1BF5;
	[smem:$0x3FB8] =	sst s0  }
0x18: {  	s0 =	sld [smem:$0x3F9B];
	_ =	swait.ge [sflag:s4], $0x0  }
0x19: {  	s7 =	sld [smem:$0x3F9C]  }
0x1a: {  	s8 =	sadd.s32 $0xFFFFE003, lr  }
0x1b: {  	s9 =	sadd.s32 $0xFFFFFEF7, lr;
	s5 =	simm.s32 $0xFFFFFFFF;
	p2 =	slt.u32 s8, $0xFFFFF086  }
0x1c: {  	p1 =	slt.u32 s9, $0xF7A;
	s5 =	simm.s32 @!p2 $0x0  }
0x1d: {  	s5 =	simm.s32 @p1 $0x1;
	p0 =	seq.s32 s7, s2  }
0x1e: {  	s7 =	smul.u32 @!p0 $0xF7A, s2;
	p2 =	seq.s32 @!p0 s5, $0x0  }
0x1f: {  	s9 =	smul.u32 $0xF7A, s1;
	s8 =	simm.s32 @!p0 $0x1BF5;
	p2 =	por !p2, p0  }
0x20: {  	[sflag:s8] =	ssyncset.s32 @!p0 $0xFFFFF086;
	s6 =	sadd.s32 @!p0 s3, s7;
	s7 =	simm.s32 @!p0 $0x108  }
0x21: {  	s3 =	sadd.s32 s3, s9;
	s6 =	sadd.s32 @!p0 $0x88, s6;
	s7 =	simm.s32 @p2 $0x1082  }
0x22: {  	[simem:s7], [sflag:s8] =	dma.local @!p0 [hbm:s6], $0xF7A  }
0x23: {  	s9 =	sor.u32 $0xD0000000, s2;
	s6 =	simm.s32 $0x108;
	_ =	swait.ge @!p0 [sflag:s8], $0x0  }
0x24: {  	s3 =	sadd.s32 $0x88, s3;
	s6 =	simm.s32 @!p1 $0x1082;
	[sflag:s4] =	ssyncset.s32 $0xFFFFF086  }
0x25: {  	[simem:s6], [sflag:s4] =	dma.local [hbm:s3], $0xF7A  }
0x26: {  	[smem:$0x3F9C] =	sst s1;
	(tag) =	ssettag s2;
	_ =	strace s9  }
0x27: {  	s1 =	sld [smem:$0x3FAC]  }
0x28: {  	s2 =	sld [smem:$0x3FAD]  }
0x29: {  	s4 =	sld [smem:$0x3FAF]  }
0x2a: {  	p0 =	seq.s32 s5, $0x0;
	s5 =	sld [smem:$0x3FB0]  }
0x2b: {  	s6 =	sld [smem:$0x3FB1]  }
0x2c: {  	s7 =	sld [smem:$0x3FB2]  }
0x2d: {  	s3 =	simm.s32 $0x108;
	s8 =	sld [smem:$0x3FB3]  }
0x2e: {  	s3 =	simm.s32 @!p0 $0x1082;
	s9 =	sld [smem:$0x3FB4]  }
0x2f: {  	lr =	sadd.s32 s0, s3;
	s0 =	sld [smem:$0x3FAB]  }
0x30: {  	s3 =	sld [smem:$0x3FAE]  }
0x31: {  	[smem:$0x3FB7] =	sst s10  }
0x32: {  	s10 =	sld [smem:$0x3FB5];
	_ =	sdelay $0x3  }
0x33: {  	p0 =	seq.s32 s10, $0x1;
	s10 =	sld [smem:$0x3FB7];
	_ =	sdelay $0x3  }
0x34: {  	[smem:$0x3FB7] =	sst s10  }
0x35: {  	s10 =	sld [smem:$0x3FB6];
	_ =	sdelay $0x3  }
0x36: {  	p1 =	seq.s32 s10, $0x1;
	s10 =	sld [smem:$0x3FB7];
	_ =	sdelay $0x3  }
0x37: {  	[smem:$0x3FB7] =	sst s10  }
0x38: {  	s10 =	sld [smem:$0x3FB8]  }
0x39: {  	_ = 	snop;
	(pc) =	sbr.ind lr, $3  }
0x3a: {  	_ = 	snop  }
0x3b: {  	_ = 	snop  }
0x3c: {  	p2 =	seq.s32 s10, $0x1;
	s10 =	sld [smem:$0x3FB7]  }
0x3d: {  	_ =	shalt  }
0x3e: {  	_ =	shalt  }
0x3f: {  	_ =	shalt  }
0x40: {  	_ =	shalt  }
0x41: {  	_ =	shalt  }
0x42: {  	_ =	shalt  }
0x43: {  	_ =	shalt  }
0x44: {  	_ =	shalt  }
0x45: {  	_ =	shalt  }
0x46: {  	_ =	shalt  }
0x47: {  	_ =	shalt  }
0x48: {  	_ =	shalt  }
0x49: {  	_ =	shalt  }
0x4a: {  	_ =	shalt  }
0x4b: {  	_ =	shalt  }
0x4c: {  	_ =	shalt  }
0x4d: {  	_ =	shalt  }
0x4e: {  	_ =	shalt  }
0x4f: {  	_ =	shalt  }
0x50: {  	_ =	shalt  }
0x51: {  	_ =	shalt  }
0x52: {  	_ =	shalt  }
0x53: {  	_ =	shalt  }
0x54: {  	_ =	shalt  }
0x55: {  	_ =	shalt  }
0x56: {  	_ =	shalt  }
0x57: {  	_ =	shalt  }
0x58: {  	_ =	shalt  }
0x59: {  	_ =	shalt  }
0x5a: {  	_ =	shalt  }
0x5b: {  	_ =	shalt  }
0x5c: {  	_ =	shalt  }
0x5d: {  	_ =	shalt  }
0x5e: {  	_ =	shalt  }
0x5f: {  	_ =	shalt  }
0x60: {  	_ =	shalt  }
0x61: {  	_ =	shalt  }
0x62: {  	_ =	shalt  }
0x63: {  	_ =	shalt  }
0x64: {  	_ =	shalt  }
0x65: {  	_ =	shalt  }
0x66: {  	_ =	shalt  }
0x67: {  	_ =	shalt  }
0x68: {  	_ =	shalt  }
0x69: {  	_ =	shalt  }
0x6a: {  	_ =	shalt  }
0x6b: {  	_ =	shalt  }
0x6c: {  	_ =	shalt  }
0x6d: {  	_ =	shalt  }
0x6e: {  	_ =	shalt  }
0x6f: {  	_ =	shalt  }
0x70: {  	_ =	shalt  }
0x71: {  	_ =	shalt  }
0x72: {  	_ =	shalt  }
0x73: {  	_ =	shalt  }
0x74: {  	_ =	shalt  }
0x75: {  	_ =	shalt  }
0x76: {  	_ =	shalt  }
0x77: {  	_ =	shalt  }
0x78: {  	_ =	shalt  }
0x79: {  	_ =	shalt  }
0x7a: {  	_ =	shalt  }
0x7b: {  	_ =	shalt  }
0x7c: {  	_ =	shalt  }
0x7d: {  	_ =	shalt  }
0x7e: {  	_ =	shalt  }
0x7f: {  	_ =	shalt  }
0x80: {  	_ =	shalt  }
0x81: {  	_ =	shalt  }
0x82: {  	_ =	shalt  }
0x83: {  	_ =	shalt  }
0x84: {  	_ =	shalt  }
0x85: {  	_ =	shalt  }
0x86: {  	_ =	shalt  }
0x87: {  	_ =	shalt  }
.Lfunc_end0:
.L_simem_size_0:
called_computation.1_lowered:
.L_overlay_start_0:
0x88: {  	s2 =	sld [smem:$0x3FD9]  }
0x89: {  	s3 =	sld [smem:$0x3FFE];
	_ =	sdelay $0x1  }
0x8a: {  	s1 =	srdreg.scid  }
0x8b: {  	s0 =	sand.u32 $0x1, s1  }
0x8c: {  	s17 =	sshll.u32 s0, $0xA;
	s2 =	sadd.s32 s3, s2  }
0x8d: {  	s2 =	sadd.s32 s2, s17  }
0x8e: {  	[smem:$0x3FC3] =	sst s2  }
0x8f: {  	_ = 	snop  }
0x90: {  	s2 =	sld [smem:$0x3FD0];
	(tm) =	ssettm $0x1  }
0x91: {  	s18 =	sld [smem:$0x3FFB];
	_ =	sdelay $0x3  }
0x92: {  	_ =	strace s18  }
0x93: {  	s3 =	sld [smem:$0x3FFC];
	_ =	sdelay $0x3  }
0x94: {  	_ =	strace s3  }
0x95: {  	s3 =	sld [smem:$0x3FFD];
	_ =	sdelay $0x3  }
0x96: {  	_ =	strace s3  }
0x97: {  	_ =	strace $0x8FFFFFFF  }
0x98: {  	s19 =	sld [smem:$0x3FDB];
	_ =	sdelay $0x1  }
0x99: {  	s4 =	simm.s32 $_scs_section_size  }
0x9a: {  	s5 =	simm.s32 $_size__tile_overlayer_lowered;
	s6 =	simm.s32 $_tile_overlayer_lowered  }
0x9b: {  	s22 =	simm.s32 $0x1BFF;
	s21 =	sshll.u32 s6, $0x1;
	s3 =	sadd.s32 s4, s19  }
0x9c: {  	s7 =	simm.s32 $0x0;
	s20 =	sshll.u32 s5, $0x1;
	s5 =	sadd.s32 s21, s3  }
0x9d: {  	[timem:s7], [sflag:s22] =	dma.local [hbm:s5], s20  }
0x9e: {  	_ =	swait.ge [sflag:s22], s20  }
0x9f: {  	s4 =	ssub.s32 $0x0, s20;
	[sflag:s22] =	ssyncset.done $0x0  }
0xa0: {  	[sflag:s22] =	ssyncadd.s32 s4;
	_ =	sdelay $0x1  }
0xa1: {  	s23 =	simm.s32 $0x1B8B  }
0xa2: {  	_ =	swait.ge [sflag:s23], $0x1  }
0xa3: {  	[sflag:s23] =	ssyncset.done $0x0  }
0xa4: {  	s25 =	simm.s32 $0x1B8E;
	s24 =	sld [smem:$0x3FFE];
	[sflag:s23] =	ssyncadd.s32 $0xFFFFFFFF  }
0xa5: {  	s26 =	simm.s32 $execute0_lowered;
	[smem:$0x3FD2] =	sst s25  }
0xa6: {  	s5 =	sshll.u32 s26, $0x1;
	_ =	strace $0x80000046;
	[dreg:$0x1] =	wrdreg $0xFFFFFFFF  }
0xa7: {  	s28 =	simm.s32 $_size_execute0_lowered;
	s3 =	sadd.s32 s3, s5;
	[dreg:$0x0] =	wrdreg $0x0  }
0xa8: {  	s5 =	sshll.u32 s28, $0x1;
	[dreg:$0x2] =	wrdreg s3  }
0xa9: {  	[dreg:$0x3] =	wrdreg s5  }
0xaa: {  	[dreg:$0x4] =	wrdreg $0xC0  }
0xab: {  	_ =	task [dreg:s7], $0x5FFFF  }
0xac: {  	[dreg:$0x1] =	wrdreg $0xFFFFFFFF  }
0xad: {  	[dreg:$0x0] =	wrdreg $0x60  }
0xae: {  	[dreg:$0x2] =	wrdreg s24  }
0xaf: {  	[dreg:$0x3] =	wrdreg s2  }
0xb0: {  	[dreg:$0x4] =	wrdreg $0x9  }
0xb1: {  	_ =	task.clear_ibuf [dreg:s7], $0x5FFFF;
	_ =	strace $0x90000046  }
0xb2: {  	s29 =	simm.s32 $0x9;
	_ =	strace $0x80000048  }
0xb3: {  	_ =	swait.ge [sflag:s29], $0x1  }
0xb4: {  	[sflag:s29] =	ssyncadd.s32 $0xFFFFFFFF  }
0xb5: {  	_ =	strace $0x90000048  }
0xb6: {  	_ =	sfence  }
0xb7: {  	s30 =	sld [smem:$0x0];
	_ =	sdelay $0x2  }
0xb8: {  	s31 =	sshll.u32 s1, $0xD;
	s1 =	sshrl.u32 s1, $0x2  }
0xb9: {  	s3 =	sand.u32 $0x4000, s31;
	s1 =	sadd.s32 s1, s30  }
0xba: {  	s0 =	sor.u32 s3, s0;
	s1 =	sshll.u32 s1, $0x11  }
0xbb: {  	s0 =	sor.u32 s1, s0  }
0xbc: {  	s0 =	sadd.s32 $0x8F2B, s0  }
0xbd: {  	[sflag:s0] =	ssyncadd.remote.s32 $0x1  }
0xbe: {  	_ =	sfence.sel $0xFFFF  }
0xbf: {  	[dreg:$0x0] =	wrdreg $0xFFFFFFFF;
	(pc) =	sbr.abs _section_cstart, $3  }
0xc0: {  	[dreg:$0x1] =	wrdreg $0xFFFFFFFF  }
0xc1: {  	_ =	task.clear_ibuf [dreg:s7], $0x2FFFF;
	_ =	strace $0x9FFFFFFF  }
0xc2: {  	(tm) =	ssettm $0x7FFFFFFF  }
0xc3: {  	_ =	shalt  }
tec
execute0_lowered:
.L_overlay_start_1:
0x0: {  	(tag) =	ssettag $0x1  }
0x1: {  	s0 =	srdreg.scid;
	s1 =	rddreg [dreg:$0x0]  }
0x2: {  	s9 =	stileid.u32;
	s8 =	rddreg [dreg:$0x1]  }
0x3: {  	s13 =	simm.s32 $0x8E80;
	s14 =	simm.s32 $0x9680;
	s15 =	simm.s32 $0x9E80  }
0x4: {  	s16 =	simm.s32 $0xA680;
	s17 =	simm.s32 $0xAE80;
	s18 =	simm.s32 $0xB680  }
0x5: {  	s19 =	simm.s32 $0xBE80;
	s20 =	simm.s32 $0xC680;
	s21 =	simm.s32 $0xCE80  }
0x6: {  	s22 =	simm.s32 $0xD680;
	s23 =	simm.s32 $0xDE80;
	s24 =	simm.s32 $0xE680  }
0x7: {  	s25 =	simm.s32 $0xEE80;
	s0 =	sand.u32 $0x1, s0;
	s2 =	sshll.u32 s9, $0x1  }
0x8: {  	s26 =	simm.s32 $0xF680;
	s3 =	sor.u32 s0, s2;
	s2 =	simm.s32 $0x0  }
0x9: {  	s28 =	simm.s32 $0xFE80;
	s29 =	simm.s32 $0x1;
	[smem:$0x7FF] =	sst s2  }
0xa: {  	s5 =	smul.u32 $0x64000, s9;
	_ =	strace $0x80000047;
	[dreg:$0x5] =	wrdreg s13  }
0xb: {  	s30 =	simm.s32 $0x2;
	s9 =	smul.u32 $0x320000, s9;
	[dreg:$0x6] =	wrdreg s14  }
0xc: {  	s31 =	simm.s32 $0x3;
	s6 =	smul.u32 $0x32000, s0;
	[dreg:$0x7] =	wrdreg s15  }
0xd: {  	s7 =	ssub.s32 $0x2, s0;
	s0 =	smul.u32 $0x190000, s0;
	[dreg:$0x8] =	wrdreg s16  }
0xe: {  	s4 =	smul.u32 $0x640, s3;
	s3 =	sadd.s32 $0x2A00, s1;
	[dreg:$0x9] =	wrdreg s17  }
0xf: {  	s10 =	sshrl.u32 s7, $0x1;
	s11 =	sadd.s32 s5, s8;
	[dreg:$0xa] =	wrdreg s18  }
0x10: {  	s5 =	sadd.s32 $0x2B00, s1;
	s10 =	ssub.s32 s7, s10;
	[dreg:$0xb] =	wrdreg s19  }
0x11: {  	s7 =	sadd.s32 s6, s11;
	s0 =	sadd.s32 s0, s9;
	[dreg:$0xc] =	wrdreg s20  }
0x12: {  	s6 =	sadd.s32 $0x2C00, s1;
	s9 =	simm.s32 $0x5;
	[dreg:$0xd] =	wrdreg s21  }
0x13: {  	s15 =	simm.s32 $0x2E80;
	s16 =	simm.s32 $0x3680;
	[dreg:$0xe] =	wrdreg s22  }
0x14: {  	s17 =	simm.s32 $0x3E80;
	s18 =	simm.s32 $0x4680;
	[dreg:$0xf] =	wrdreg s23  }
0x15: {  	s19 =	simm.s32 $0x4E80;
	s20 =	simm.s32 $0x5680;
	[dreg:$0x10] =	wrdreg s24  }
0x16: {  	s21 =	simm.s32 $0x5E80;
	s22 =	simm.s32 $0x6680;
	[dreg:$0x11] =	wrdreg s25  }
0x17: {  	s23 =	simm.s32 $0x6E80;
	s24 =	simm.s32 $0x7680;
	[dreg:$0x12] =	wrdreg s26  }
0x18: {  	s25 =	simm.s32 $0x7E80;
	s26 =	simm.s32 $0x8680;
	s4 =	sshrl.u32 s4, $0x3  }
0x19: {  	s12 =	sadd.s32 $0x1000, s7;
	s0 =	sshrl.u32 s0, $0x3;
	s7 =	sadd.s32 $0x2D00, s1  }
0x1a: {  	v2 =	vlaneseq.u32;
	s4 =	sadd.s32 s4, s1;
	[dreg:$0x3] =	wrdreg s12;
	s0 =	sadd.s32 s0, s8  }
0x1b: {  	vm0 =	vmmov $0xffff;
	v1 =	vshrl.u32 v2, $0x3;
	s8 =	smax.u32 s10, $0x1;
	s10 =	simm.s32 $0x680;
	s1 =	simm.s32 $0x4  }
0x1c: {  	v0 =	vand.u32 $0x7, v2;
	v2 =	vor.u32 $0x8, v2;
	v1 =	vmul.u32 $0x8, v1;
	s4 =	sadd.s32 $0x1000, s4;
	[dreg:$0x4] =	wrdreg s0;
	s0 =	simm.s32 $0x0  }
.LBB2_1:
0x1d: {  	[tilespmem:s2], [sflag:$0x5] =	stream.linear.gather [hbm4b:s4+s2], $0x640, $0x38;
	[tilespmem:$0x10680] =	vst v63  }
0x1e: {  	_ =	swait.ge [sflag:s9], $0x640  }
0x1f: {  	[sflag:s9] =	ssyncset.done $0x0  }
0x20: {  	[sflag:s9] =	ssyncadd.s32 $0xFFFFF9C0  }
0x21: {  	v3 =	vld [tilespmem:$0x0];
	_ =	sdelay $0x4  }
0x22: {  	v4 =	vshll.u32 v3, $0x3  }
0x23: {  	v3 =	vand.u32 $0x7, v3;
	v4 =	vand.u32 $0xFFFFFFC0, v4  }
0x24: {  	v3 =	vor.u32 v3, v4  }
0x25: {  	v4 =	vperm.xlane v3, v0;
	_ =	sdelay $0x1  }
0x26: {  	v4 =	vadd.s32 v1, v4;
	_ =	sdelay $0x4  }
0x27: {  	[tilespmem:s10], [sflag:$0x1] =	stream.indirect_vreg.gather [hbm4b:s3+s2], $0x80, v4, vm0, $0xb8;
	[tilespmem:$0x10680] =	vst v63  }
0x28: {  	s11 =	simm.s32 $0xE80;
	v3 =	vperm.xlane v3, v2  }
0x29: {  	[tilespmem:s11], [sflag:$0x1] =	stream.indirect_vreg.gather [hbm4b:s5+s2], $0x80, v4, vm0, $0xb8;
	[tilespmem:$0x10680] =	vst v63  }
0x2a: {  	s12 =	simm.s32 $0x1680;
	v3 =	vadd.s32 v1, v3  }
0x2b: {  	[tilespmem:s12], [sflag:$0x1] =	stream.indirect_vreg.gather [hbm4b:s6+s2], $0x80, v4, vm0, $0xb8;
	[tilespmem:$0x10680] =	vst v63  }
0x2c: {  	s13 =	simm.s32 $0x1E80  }
0x2d: {  	[tilespmem:s13], [sflag:$0x1] =	stream.indirect_vreg.gather [hbm4b:s7+s2], $0x80, v4, vm0, $0xb8;
	[tilespmem:$0x10680] =	vst v63  }
0x2e: {  	s14 =	simm.s32 $0x2680  }
0x2f: {  	[tilespmem:s14], [sflag:$0x1] =	stream.indirect_vreg.gather [hbm4b:s3+s2], $0x80, v3, vm0, $0xb8;
	[tilespmem:$0x10680] =	vst v63  }
0x30: {  	_ = 	snop  }
0x31: {  	[tilespmem:s15], [sflag:$0x1] =	stream.indirect_vreg.gather [hbm4b:s5+s2], $0x80, v3, vm0, $0xb8;
	[tilespmem:$0x10680] =	vst v63  }
0x32: {  	_ = 	snop  }
0x33: {  	[tilespmem:s16], [sflag:$0x1] =	stream.indirect_vreg.gather [hbm4b:s6+s2], $0x80, v3, vm0, $0xb8;
	[tilespmem:$0x10680] =	vst v63  }
0x34: {  	_ = 	snop  }
0x35: {  	[tilespmem:s17], [sflag:$0x1] =	stream.indirect_vreg.gather [hbm4b:s7+s2], $0x80, v3, vm0, $0xb8;
	[tilespmem:$0x10680] =	vst v63  }
0x36: {  	v3 =	vld [tilespmem:$0x10];
	_ =	sdelay $0x4  }
0x37: {  	v63 =	vshll.u32 v3, $0x3  }
0x38: {  	v3 =	vand.u32 $0x7, v3;
	v4 =	vand.u32 $0xFFFFFFC0, v63  }
0x39: {  	v3 =	vor.u32 v3, v4  }
0x3a: {  	v4 =	vperm.xlane v3, v0;
	_ =	sdelay $0x1  }
0x3b: {  	v4 =	vadd.s32 v1, v4;
	_ =	sdelay $0x4  }
0x3c: {  	[tilespmem:s18], [sflag:$0x1] =	stream.indirect_vreg.gather [hbm4b:s3+s2], $0x80, v4, vm0, $0xb8;
	[tilespmem:$0x10680] =	vst v63  }
0x3d: {  	v3 =	vperm.xlane v3, v2  }
0x3e: {  	[tilespmem:s19], [sflag:$0x1] =	stream.indirect_vreg.gather [hbm4b:s5+s2], $0x80, v4, vm0, $0xb8;
	[tilespmem:$0x10680] =	vst v63  }
0x3f: {  	v3 =	vadd.s32 v1, v3  }
0x40: {  	[tilespmem:s20], [sflag:$0x1] =	stream.indirect_vreg.gather [hbm4b:s6+s2], $0x80, v4, vm0, $0xb8;
	[tilespmem:$0x10680] =	vst v63  }
0x41: {  	_ = 	snop  }
0x42: {  	[tilespmem:s21], [sflag:$0x1] =	stream.indirect_vreg.gather [hbm4b:s7+s2], $0x80, v4, vm0, $0xb8;
	[tilespmem:$0x10680] =	vst v63  }
0x43: {  	_ = 	snop  }
0x44: {  	[tilespmem:s22], [sflag:$0x1] =	stream.indirect_vreg.gather [hbm4b:s3+s2], $0x80, v3, vm0, $0xb8;
	[tilespmem:$0x10680] =	vst v63  }
0x45: {  	_ = 	snop  }
0x46: {  	[tilespmem:s23], [sflag:$0x1] =	stream.indirect_vreg.gather [hbm4b:s5+s2], $0x80, v3, vm0, $0xb8;
	[tilespmem:$0x10680] =	vst v63  }
0x47: {  	_ = 	snop  }
0x48: {  	[tilespmem:s24], [sflag:$0x1] =	stream.indirect_vreg.gather [hbm4b:s6+s2], $0x80, v3, vm0, $0xb8;
	[tilespmem:$0x10680] =	vst v63  }
0x49: {  	s11 =	simm.s32 $0x30;
	s12 =	simm.s32 $0x0  }
0x4a: {  	[tilespmem:s25], [sflag:$0x1] =	stream.indirect_vreg.gather [hbm4b:s7+s2], $0x80, v3, vm0, $0xb8;
	[tilespmem:$0x10680] =	vst v63  }
.LBB2_2:
0x4b: {  	p0 =	seq.s32 s12, $0x0  }
0x4c: {  	s13 =	simm.s32 @!p0 $0x4  }
0x4d: {  	_ =	swait.ge @!p0 [sflag:s13], $0x8000  }
0x4e: {  	[sflag:s13] =	ssyncset.done @!p0 $0x0  }
0x4f: {  	[sflag:s13] =	ssyncadd.s32 @!p0 $0xFFFF8000  }
0x50: {  	v3 =	vld [tilespmem:s11+$0xFFFFFFF0];
	_ =	sdelay $0x4  }
0x51: {  	v4 =	vshll.u32 v3, $0x3  }
0x52: {  	v3 =	vand.u32 $0x7, v3;
	v4 =	vand.u32 $0xFFFFFFC0, v4  }
0x53: {  	v3 =	vor.u32 v3, v4  }
0x54: {  	v4 =	vperm.xlane v3, v0;
	_ =	sdelay $0x1  }
0x55: {  	v4 =	vadd.s32 v1, v4;
	_ =	sdelay $0x4  }
0x56: {  	[tilespmem:s26], [sflag:$0x2] =	stream.indirect_vreg.gather [hbm4b:s3+s2], $0x80, v4, vm0, $0xb8;
	[tilespmem:$0x10680] =	vst v63  }
0x57: {  	s13 =	rddreg [dreg:$0x5];
	v3 =	vperm.xlane v3, v2  }
0x58: {  	[tilespmem:s13], [sflag:$0x2] =	stream.indirect_vreg.gather [hbm4b:s5+s2], $0x80, v4, vm0, $0xb8;
	[tilespmem:$0x10680] =	vst v63  }
0x59: {  	s14 =	rddreg [dreg:$0x6];
	v3 =	vadd.s32 v1, v3  }
0x5a: {  	[tilespmem:s14], [sflag:$0x2] =	stream.indirect_vreg.gather [hbm4b:s6+s2], $0x80, v4, vm0, $0xb8;
	[tilespmem:$0x10680] =	vst v63  }
0x5b: {  	s13 =	rddreg [dreg:$0x7]  }
0x5c: {  	[tilespmem:s13], [sflag:$0x2] =	stream.indirect_vreg.gather [hbm4b:s7+s2], $0x80, v4, vm0, $0xb8;
	[tilespmem:$0x10680] =	vst v63  }
0x5d: {  	s14 =	rddreg [dreg:$0x8]  }
0x5e: {  	[tilespmem:s14], [sflag:$0x2] =	stream.indirect_vreg.gather [hbm4b:s3+s2], $0x80, v3, vm0, $0xb8;
	[tilespmem:$0x10680] =	vst v63  }
0x5f: {  	s13 =	rddreg [dreg:$0x9]  }
0x60: {  	[tilespmem:s13], [sflag:$0x2] =	stream.indirect_vreg.gather [hbm4b:s5+s2], $0x80, v3, vm0, $0xb8;
	[tilespmem:$0x10680] =	vst v63  }
0x61: {  	s14 =	rddreg [dreg:$0xa]  }
0x62: {  	[tilespmem:s14], [sflag:$0x2] =	stream.indirect_vreg.gather [hbm4b:s6+s2], $0x80, v3, vm0, $0xb8;
	[tilespmem:$0x10680] =	vst v63  }
0x63: {  	s13 =	rddreg [dreg:$0xb]  }
0x64: {  	[tilespmem:s13], [sflag:$0x2] =	stream.indirect_vreg.gather [hbm4b:s7+s2], $0x80, v3, vm0, $0xb8;
	[tilespmem:$0x10680] =	vst v63  }
0x65: {  	v3 =	vld [tilespmem:s11+$0x0];
	_ =	sdelay $0x4  }
0x66: {  	v63 =	vshll.u32 v3, $0x3  }
0x67: {  	v3 =	vand.u32 $0x7, v3;
	v4 =	vand.u32 $0xFFFFFFC0, v63  }
0x68: {  	v3 =	vor.u32 v3, v4  }
0x69: {  	v4 =	vperm.xlane v3, v0;
	_ =	sdelay $0x1  }
0x6a: {  	v4 =	vadd.s32 v1, v4;
	_ =	sdelay $0x3  }
0x6b: {  	s13 =	rddreg [dreg:$0xc]  }
0x6c: {  	[tilespmem:s13], [sflag:$0x2] =	stream.indirect_vreg.gather [hbm4b:s3+s2], $0x80, v4, vm0, $0xb8;
	[tilespmem:$0x10680] =	vst v63  }
0x6d: {  	s14 =	rddreg [dreg:$0xd];
	v3 =	vperm.xlane v3, v2  }
0x6e: {  	[tilespmem:s14], [sflag:$0x2] =	stream.indirect_vreg.gather [hbm4b:s5+s2], $0x80, v4, vm0, $0xb8;
	[tilespmem:$0x10680] =	vst v63  }
0x6f: {  	v3 =	vadd.s32 v1, v3;
	s13 =	rddreg [dreg:$0xe]  }
0x70: {  	[tilespmem:s13], [sflag:$0x2] =	stream.indirect_vreg.gather [hbm4b:s6+s2], $0x80, v4, vm0, $0xb8;
	[tilespmem:$0x10680] =	vst v63  }
0x71: {  	s14 =	rddreg [dreg:$0xf]  }
0x72: {  	[tilespmem:s14], [sflag:$0x2] =	stream.indirect_vreg.gather [hbm4b:s7+s2], $0x80, v4, vm0, $0xb8;
	[tilespmem:$0x10680] =	vst v63  }
0x73: {  	s13 =	rddreg [dreg:$0x10]  }
0x74: {  	[tilespmem:s13], [sflag:$0x2] =	stream.indirect_vreg.gather [hbm4b:s3+s2], $0x80, v3, vm0, $0xb8;
	[tilespmem:$0x10680] =	vst v63  }
0x75: {  	s14 =	rddreg [dreg:$0x11]  }
0x76: {  	[tilespmem:s14], [sflag:$0x2] =	stream.indirect_vreg.gather [hbm4b:s5+s2], $0x80, v3, vm0, $0xb8;
	[tilespmem:$0x10680] =	vst v63  }
0x77: {  	s13 =	rddreg [dreg:$0x12]  }
0x78: {  	[tilespmem:s13], [sflag:$0x2] =	stream.indirect_vreg.gather [hbm4b:s6+s2], $0x80, v3, vm0, $0xb8;
	[tilespmem:$0x10680] =	vst v63  }
0x79: {  	_ = 	snop  }
0x7a: {  	[tilespmem:s28], [sflag:$0x2] =	stream.indirect_vreg.gather [hbm4b:s7+s2], $0x80, v3, vm0, $0xb8;
	[tilespmem:$0x10680] =	vst v63  }
0x7b: {  	_ =	swait.ge [sflag:s29], $0x8000  }
0x7c: {  	s14 =	rddreg [dreg:$0x4];
	[sflag:s29] =	ssyncset.done $0x0  }
0x7d: {  	p0 =	seq.s32 s12, $0x30000;
	[sflag:s29] =	ssyncadd.s32 $0xFFFF8000;
	s13 =	sadd.s32 s12, s14  }
0x7e: {  	[hbm4b:s13+s2] =	stream.linear.scatter [tilespmem:s10], [sflag:$0x3], $0x8000, $0x38;
	[tilespmem:$0x10680] =	vst v63  }
0x7f: {  	s13 =	simm.s32 @!p0 $0x3  }
0x80: {  	_ =	swait.ge @!p0 [sflag:s13], $0x8000  }
0x81: {  	[sflag:s13] =	ssyncset.done @!p0 $0x0  }
0x82: {  	[sflag:s13] =	ssyncadd.s32 @!p0 $0xFFFF8000  }
0x83: {  	v3 =	vld @!p0 [tilespmem:s11+$0x10];
	_ =	sdelay $0x4  }
0x84: {  	v4 =	vshll.u32 @!p0 v3, $0x3  }
0x85: {  	v5 =	vlaneseq.u32 @!p0;
	v3 =	vand.u32 @!p0 $0x7, v3;
	v4 =	vand.u32 @!p0 $0xFFFFFFC0, v4  }
0x86: {  	v6 =	vshrl.u32 @!p0 v5, $0x3;
	v3 =	vor.u32 @!p0 v3, v4;
	v4 =	vand.u32 @!p0 $0x7, v5  }
0x87: {  	v6 =	vmul.u32 @!p0 $0x8, v6;
	v7 =	vperm.xlane @!p0 v3, v4;
	_ =	sdelay $0x1  }
0x88: {  	v7 =	vadd.s32 @!p0 v6, v7;
	_ =	sdelay $0x3  }
0x89: {  	vm1 =	vmmov @!p0 $0xffff;
	s14 =	simm.s32 @!p0 $0x680;
	s13 =	simm.s32 @!p0 $0x0  }
0x8a: {  	v5 =	vor.u32 @!p0 $0x8, v5;
	[tilespmem:s14], [sflag:$0x1] =	stream.indirect_vreg.gather @!p0 [hbm4b:s3+s13], $0x80, v7, vm1, $0xb8;
	[tilespmem:$0x10680] =	vst v63  }
0x8b: {  	v3 =	vperm.xlane @!p0 v3, v5;
	s14 =	simm.s32 @!p0 $0xE80  }
0x8c: {  	[tilespmem:s14], [sflag:$0x1] =	stream.indirect_vreg.gather @!p0 [hbm4b:s5+s13], $0x80, v7, vm1, $0xb8;
	[tilespmem:$0x10680] =	vst v63  }
0x8d: {  	v3 =	vadd.s32 @!p0 v6, v3;
	s14 =	simm.s32 @!p0 $0x1680  }
0x8e: {  	[tilespmem:s14], [sflag:$0x1] =	stream.indirect_vreg.gather @!p0 [hbm4b:s6+s13], $0x80, v7, vm1, $0xb8;
	[tilespmem:$0x10680] =	vst v63  }
0x8f: {  	s14 =	simm.s32 @!p0 $0x1E80  }
0x90: {  	[tilespmem:s14], [sflag:$0x1] =	stream.indirect_vreg.gather @!p0 [hbm4b:s7+s13], $0x80, v7, vm1, $0xb8;
	[tilespmem:$0x10680] =	vst v63  }
0x91: {  	s14 =	simm.s32 @!p0 $0x2680  }
0x92: {  	[tilespmem:s14], [sflag:$0x1] =	stream.indirect_vreg.gather @!p0 [hbm4b:s3+s13], $0x80, v3, vm1, $0xb8;
	[tilespmem:$0x10680] =	vst v63  }
0x93: {  	s14 =	simm.s32 @!p0 $0x2E80  }
0x94: {  	[tilespmem:s14], [sflag:$0x1] =	stream.indirect_vreg.gather @!p0 [hbm4b:s5+s13], $0x80, v3, vm1, $0xb8;
	[tilespmem:$0x10680] =	vst v63  }
0x95: {  	s14 =	simm.s32 @!p0 $0x3680  }
0x96: {  	[tilespmem:s14], [sflag:$0x1] =	stream.indirect_vreg.gather @!p0 [hbm4b:s6+s13], $0x80, v3, vm1, $0xb8;
	[tilespmem:$0x10680] =	vst v63  }
0x97: {  	s14 =	simm.s32 @!p0 $0x3E80  }
0x98: {  	[tilespmem:s14], [sflag:$0x1] =	stream.indirect_vreg.gather @!p0 [hbm4b:s7+s13], $0x80, v3, vm1, $0xb8;
	[tilespmem:$0x10680] =	vst v63  }
0x99: {  	v3 =	vld @!p0 [tilespmem:s11+$0x20];
	_ =	sdelay $0x4  }
0x9a: {  	v7 =	vshll.u32 @!p0 v3, $0x3  }
0x9b: {  	v3 =	vand.u32 @!p0 $0x7, v3;
	v7 =	vand.u32 @!p0 $0xFFFFFFC0, v7  }
0x9c: {  	v3 =	vor.u32 @!p0 v3, v7  }
0x9d: {  	v4 =	vperm.xlane @!p0 v3, v4;
	_ =	sdelay $0x1  }
0x9e: {  	v4 =	vadd.s32 @!p0 v6, v4;
	_ =	sdelay $0x3  }
0x9f: {  	s14 =	simm.s32 @!p0 $0x4680  }
0xa0: {  	[tilespmem:s14], [sflag:$0x1] =	stream.indirect_vreg.gather @!p0 [hbm4b:s3+s13], $0x80, v4, vm1, $0xb8;
	[tilespmem:$0x10680] =	vst v63  }
0xa1: {  	v3 =	vperm.xlane @!p0 v3, v5;
	s14 =	simm.s32 @!p0 $0x4E80  }
0xa2: {  	[tilespmem:s14], [sflag:$0x1] =	stream.indirect_vreg.gather @!p0 [hbm4b:s5+s13], $0x80, v4, vm1, $0xb8;
	[tilespmem:$0x10680] =	vst v63  }
0xa3: {  	v3 =	vadd.s32 @!p0 v6, v3;
	s14 =	simm.s32 @!p0 $0x5680  }
0xa4: {  	[tilespmem:s14], [sflag:$0x1] =	stream.indirect_vreg.gather @!p0 [hbm4b:s6+s13], $0x80, v4, vm1, $0xb8;
	[tilespmem:$0x10680] =	vst v63  }
0xa5: {  	s14 =	simm.s32 @!p0 $0x5E80  }
0xa6: {  	[tilespmem:s14], [sflag:$0x1] =	stream.indirect_vreg.gather @!p0 [hbm4b:s7+s13], $0x80, v4, vm1, $0xb8;
	[tilespmem:$0x10680] =	vst v63  }
0xa7: {  	s14 =	simm.s32 @!p0 $0x6680  }
0xa8: {  	[tilespmem:s14], [sflag:$0x1] =	stream.indirect_vreg.gather @!p0 [hbm4b:s3+s13], $0x80, v3, vm1, $0xb8;
	[tilespmem:$0x10680] =	vst v63  }
0xa9: {  	s14 =	simm.s32 @!p0 $0x6E80  }
0xaa: {  	[tilespmem:s14], [sflag:$0x1] =	stream.indirect_vreg.gather @!p0 [hbm4b:s5+s13], $0x80, v3, vm1, $0xb8;
	[tilespmem:$0x10680] =	vst v63  }
0xab: {  	s14 =	simm.s32 @!p0 $0x7680  }
0xac: {  	[tilespmem:s14], [sflag:$0x1] =	stream.indirect_vreg.gather @!p0 [hbm4b:s6+s13], $0x80, v3, vm1, $0xb8;
	[tilespmem:$0x10680] =	vst v63  }
0xad: {  	s14 =	simm.s32 @!p0 $0x7E80  }
0xae: {  	[tilespmem:s14], [sflag:$0x1] =	stream.indirect_vreg.gather @!p0 [hbm4b:s7+s13], $0x80, v3, vm1, $0xb8;
	[tilespmem:$0x10680] =	vst v63  }
0xaf: {  	_ =	swait.ge [sflag:s30], $0x8000  }
0xb0: {  	s14 =	rddreg [dreg:$0x3]  }
0xb1: {  	s13 =	sadd.s32 s12, s14;
	s12 =	sadd.s32 $0x2000, s12  }
0xb2: {  	p0 =	sne.s32 s12, $0x32000  }
.Ltmp0:
0xb3: {  	_ = 	snop;
	(pc) =	sbr.rel @p0 .LBB2_2-.Ltmp0, $4  }
0xb4: {  	_ = 	snop  }
0xb5: {  	[sflag:s30] =	ssyncset.done $0x0  }
0xb6: {  	s11 =	sadd.s32 $0x40, s11;
	[sflag:s30] =	ssyncadd.s32 $0xFFFF8000  }
0xb7: {  	[hbm4b:s13+s2] =	stream.linear.scatter [tilespmem:s26], [sflag:$0x4], $0x8000, $0x38;
	[tilespmem:$0x10680] =	vst v63  }
0xb8: {  	s0 =	sadd.s32 $0x1, s0  }
0xb9: {  	_ =	swait.ge [sflag:s31], $0x8000;
	p0 =	sne.s32 s0, s8  }
.Ltmp1:
0xba: {  	[sflag:s31] =	ssyncset.done $0x0;
	(pc) =	sbr.rel @p0 .LBB2_1-.Ltmp1, $4  }
0xbb: {  	[sflag:s31] =	ssyncadd.s32 $0xFFFF8000  }
0xbc: {  	_ =	swait.ge [sflag:s1], $0x8000  }
0xbd: {  	[sflag:s1] =	ssyncset.done $0x0  }
0xbe: {  	[sflag:s1] =	ssyncadd.s32 $0xFFFF8000  }
0xbf: {  	_ =	sfence.sel $0x180000  }
0xc0: {  	[bflag:$0x0] =	sbarrier.arrive $0xFFFF  }
0xc1: {  	_ =	strace $0x90000047  }
0xc2: {  	s0 =	stileid.u32;
	[bflag:$0x2] =	sbarrier.arrive $0xFFFF  }
0xc3: {  	p0 =	sne.s32 s0, $0x0;
	s0 =	rddreg [dreg:$0x2]  }
0xc4: {  	s0 =	sadd.s32 @!p0 $0x100000, s0  }
0xc5: {  	[sflag:s0] =	ssyncadd.tile.s32 @!p0 $0x1;
	_ =	shalt  }
.Lfunc_end2:
_tile_overlayer_lowered:
.L_overlay_start_2:
0xc6: {  	(tag) =	ssettag $0x2  }
0xc7: {  	s0 =	rddreg [dreg:$0x0];
	s2 =	stileid.u32  }
0xc8: {  	s1 =	rddreg [dreg:$0x1];
	p0 =	sne.s32 s2, $0x0  }
0xc9: {  	s3 =	rddreg [dreg:$0x2];
	[bflag:$0x3] =	sbarrier.arrive $0xFFFF;
	s2 =	simm.s32 @!p0 $0x1C05  }
0xca: {  	[timem:s3], [sflag:s2] =	dma.local @!p0 [hbm:s0], s1  }
0xcb: {  	s0 =	simm.s32 @!p0 $0x5  }
0xcc: {  	_ =	swait.ge @!p0 [sflag:s0], s1  }
0xcd: {  	s1 =	ssub.s32 @!p0 $0x0, s1;
	[sflag:s0] =	ssyncset.done @!p0 $0x0  }
0xce: {  	[sflag:s0] =	ssyncadd.s32 @!p0 s1  }
0xcf: {  	[bflag:$0x3] =	sbarrier.arrive $0xFFFF  }
0xd0: {  	_ =	shalt  }

// kernel: sparse-core-data-format-call.cloned.1.call-start
scs
called_computation_lowered:
.L_overlay_start_0:
0x0: {  	s2 =	sld [smem:$0x3FD9]  }
0x1: {  	s3 =	sld [smem:$0x3FFE];
	_ =	sdelay $0x1  }
0x2: {  	s1 =	srdreg.scid  }
0x3: {  	s0 =	sand.u32 $0x1, s1  }
0x4: {  	s18 =	sshll.u32 s0, $0xA;
	s2 =	sadd.s32 s3, s2  }
0x5: {  	s2 =	sadd.s32 s2, s18  }
0x6: {  	[smem:$0x3FC3] =	sst s2  }
0x7: {  	_ = 	snop  }
0x8: {  	s2 =	sld [smem:$0x3FD0];
	(tm) =	ssettm $0x1  }
0x9: {  	s19 =	sld [smem:$0x3FFB];
	_ =	sdelay $0x3  }
0xa: {  	_ =	strace s19  }
0xb: {  	s3 =	sld [smem:$0x3FFC];
	_ =	sdelay $0x3  }
0xc: {  	_ =	strace s3  }
0xd: {  	s3 =	sld [smem:$0x3FFD];
	_ =	sdelay $0x3  }
0xe: {  	_ =	strace s3  }
0xf: {  	_ =	strace $0x8FFFFFFF  }
0x10: {  	s20 =	sld [smem:$0x3FDB];
	_ =	sdelay $0x1  }
0x11: {  	s4 =	simm.s32 $_scs_section_size  }
0x12: {  	s5 =	simm.s32 $_size__tile_overlayer_lowered;
	s6 =	simm.s32 $_tile_overlayer_lowered  }
0x13: {  	s23 =	simm.s32 $0x1BFF;
	s22 =	sshll.u32 s6, $0x1;
	s3 =	sadd.s32 s4, s20  }
0x14: {  	s7 =	simm.s32 $0x0;
	s21 =	sshll.u32 s5, $0x1;
	s5 =	sadd.s32 s22, s3  }
0x15: {  	[timem:s7], [sflag:s23] =	dma.local [hbm:s5], s21  }
0x16: {  	_ =	swait.ge [sflag:s23], s21  }
0x17: {  	s4 =	ssub.s32 $0x0, s21;
	[sflag:s23] =	ssyncset.done $0x0  }
0x18: {  	[sflag:s23] =	ssyncadd.s32 s4;
	_ =	sdelay $0x1  }
0x19: {  	s24 =	simm.s32 $0x1B8B  }
0x1a: {  	_ =	swait.ge [sflag:s24], $0x1  }
0x1b: {  	[sflag:s24] =	ssyncset.done $0x0  }
0x1c: {  	s26 =	simm.s32 $0x1B8E;
	s25 =	sld [smem:$0x3FFE];
	[sflag:s24] =	ssyncadd.s32 $0xFFFFFFFF  }
0x1d: {  	s27 =	simm.s32 $execute0_lowered;
	[smem:$0x3FD2] =	sst s26  }
0x1e: {  	s5 =	sshll.u32 s27, $0x1;
	_ =	strace $0x80000049;
	[dreg:$0x1] =	wrdreg $0xFFFFFFFF  }
0x1f: {  	s28 =	simm.s32 $_size_execute0_lowered;
	s3 =	sadd.s32 s3, s5;
	[dreg:$0x0] =	wrdreg $0x0  }
0x20: {  	s5 =	sshll.u32 s28, $0x1;
	[dreg:$0x2] =	wrdreg s3  }
0x21: {  	[dreg:$0x3] =	wrdreg s5  }
0x22: {  	[dreg:$0x4] =	wrdreg $0xC0  }
0x23: {  	_ =	task [dreg:s7], $0x5FFFF  }
0x24: {  	[dreg:$0x1] =	wrdreg $0xFFFFFFFF  }
0x25: {  	[dreg:$0x0] =	wrdreg $0x60  }
0x26: {  	[dreg:$0x2] =	wrdreg s25  }
0x27: {  	[dreg:$0x3] =	wrdreg s2  }
0x28: {  	[dreg:$0x4] =	wrdreg $0x9  }
0x29: {  	_ =	task.clear_ibuf [dreg:s7], $0x5FFFF;
	_ =	strace $0x90000049  }
0x2a: {  	s29 =	simm.s32 $0x9;
	_ =	strace $0x8000004B  }
0x2b: {  	_ =	swait.ge [sflag:s29], $0x1  }
0x2c: {  	[sflag:s29] =	ssyncadd.s32 $0xFFFFFFFF  }
0x2d: {  	_ =	strace $0x9000004B  }
0x2e: {  	_ =	sfence  }
0x2f: {  	s30 =	sld [smem:$0x0];
	_ =	sdelay $0x2  }
0x30: {  	s31 =	sshll.u32 s1, $0xD;
	s1 =	sshrl.u32 s1, $0x2  }
0x31: {  	s3 =	sand.u32 $0x4000, s31;
	s1 =	sadd.s32 s1, s30  }
0x32: {  	s0 =	sor.u32 s3, s0;
	s1 =	sshll.u32 s1, $0x11  }
0x33: {  	s0 =	sor.u32 s1, s0  }
0x34: {  	s0 =	sadd.s32 $0x8F2B, s0  }
0x35: {  	[sflag:s0] =	ssyncadd.remote.s32 $0x1  }
0x36: {  	_ =	sfence.sel $0xFFFF  }
0x37: {  	[dreg:$0x0] =	wrdreg $0xFFFFFFFF;
	(pc) =	sbr.abs _section_cstart, $3  }
0x38: {  	[dreg:$0x1] =	wrdreg $0xFFFFFFFF  }
0x39: {  	_ =	task.clear_ibuf [dreg:s7], $0x2FFFF;
	_ =	strace $0x9FFFFFFF  }
0x3a: {  	(tm) =	ssettm $0x7FFFFFFF  }
0x3b: {  	_ =	shalt  }
tec
execute0_lowered:
.L_overlay_start_1:
0x0: {  	(tag) =	ssettag $0x1  }
0x1: {  	s0 =	stileid.u32;
	s1 =	srdreg.scid  }
0x2: {  	s2 =	sshll.u32 s0, $0x7;
	s3 =	sshll.u32 s0, $0x4;
	s4 =	sshll.u32 s1, $0x8  }
0x3: {  	s7 =	rddreg [dreg:$0x0];
	s1 =	sand.u32 $0x380, s2;
	s29 =	sor.u32 s3, s4  }
0x4: {  	s8 =	simm.s32 $0x2;
	s2 =	sand.u32 $0x180, s29;
	s30 =	ssub.s32 $0x400, s1  }
0x5: {  	s15 =	simm.s32 $0x0;
	s31 =	sand.u32 $0x380, s30;
	s5 =	ssub.s32 $0x400, s2  }
0x6: {  	s4 =	simm.s32 $0x1;
	p0 =	sne.s32 s31, $0x0;
	s6 =	sand.u32 $0x180, s5  }
0x7: {  	s4 =	simm.s32 @!p0 $0x0;
	p0 =	sne.s32 s6, $0x0;
	s6 =	simm.s32 $0x1  }
0x8: {  	s3 =	sshrl.u32 s30, $0xA;
	s5 =	sshrl.u32 s5, $0x9;
	s6 =	simm.s32 @!p0 $0x0  }
0x9: {  	s9 =	simm.s32 $0x2000;
	s3 =	sadd.s32 s4, s3;
	s5 =	sadd.s32 s6, s5  }
0xa: {  	s10 =	simm.s32 $0x0;
	s16 =	simm.s32 $0x0;
	s6 =	smul.u32 s5, s3  }
.Ltmp0:
0xb: {  	s17 =	simm.s32 $0x0;
	s4 =	rddreg [dreg:$0x1];
	(pc) =	sbr.rel .LBB1_1-.Ltmp0, $4  }
0xc: {  	s12 =	simm.s32 $0x0;
	s14 =	simm.s32 $0x0;
	s3 =	rddreg [dreg:$0x2]  }
0xd: {  	_ =	strace $0x8000004A;
	s5 =	simm.s32 $0x1;
	s6 =	smul.u32 $0x32, s6  }
0xe: {  	s7 =	sadd.s32 $0x1000, s7;
	s13 =	smov.u32 s1;
	[sflag:s5] =	ssyncpa.u1 $0x0  }
0xf: {  	s11 =	smov.u32 s2;
	[sflag:s8] =	ssyncpa.u1 $0x0;
	s8 =	sor.u32 $0x1, s6  }
.LBB1_4:
0x10: {  	_ =	sdelay $0x3  }
0x11: {  	[tilespmem:v0+s20+$0xFFFFFFD0 ss:$0x1] =	vst.idx.msk $0xffff, v6  }
0x12: {  	v56 =	vld.idx.msk [tilespmem:v1+s19+$0x0 ss:$0x1], $0xffff;
	[tilespmem:v0+s20+$0xFFFFFFE0 ss:$0x1] =	vst.idx.msk $0xffff, v4  }
0x13: {  	v57 =	vld.idx.msk [tilespmem:v1+s19+$0xFFFFFF90 ss:$0x1], $0xffff;
	[tilespmem:v0+s20+$0xFFFFFFF0 ss:$0x1] =	vst.idx.msk $0xffff, v2  }
0x14: {  	v58 =	vld.idx.msk [tilespmem:v1+s19+$0xFFFFFFA0 ss:$0x1], $0xffff;
	[tilespmem:v0+s20+$0x0 ss:$0x1] =	vst.idx.msk $0xffff, v3  }
0x15: {  	v59 =	vld.idx.msk [tilespmem:v1+s19+$0xFFFFFFB0 ss:$0x1], $0xffff;
	[tilespmem:v0+s20+$0x10 ss:$0x1] =	vst.idx.msk $0xffff, v5  }
0x16: {  	v60 =	vld.idx.msk [tilespmem:v1+s19+$0xFFFFFFC0 ss:$0x1], $0xffff;
	[tilespmem:v0+s20+$0x20 ss:$0x1] =	vst.idx.msk $0xffff, v7  }
0x17: {  	v61 =	vld.idx.msk [tilespmem:v1+s19+$0xFFFFFFD0 ss:$0x1], $0xffff;
	[tilespmem:v0+s19+$0x30 ss:$0x1] =	vst.idx.msk $0xffff, v56  }
0x18: {  	v62 =	vld.idx.msk [tilespmem:v1+s19+$0xFFFFFFE0 ss:$0x1], $0xffff;
	[tilespmem:v0+s19+$0xFFFFFFC0 ss:$0x1] =	vst.idx.msk $0xffff, v57  }
0x19: {  	v63 =	vld.idx.msk [tilespmem:v1+s19+$0xFFFFFFF0 ss:$0x1], $0xffff;
	s17 =	sshll.u32 s17, $0x7;
	[tilespmem:v0+s19+$0xFFFFFFD0 ss:$0x1] =	vst.idx.msk $0xffff, v58  }
0x1a: {  	s30 =	sand.u32 $0x78, s15;
	s16 =	sshll.u32 s16, $0x11;
	s21 =	sand.u32 $0x380, s17;
	[tilespmem:v0+s19+$0xFFFFFFE0 ss:$0x1] =	vst.idx.msk $0xffff, v59  }
0x1b: {  	s31 =	sand.u32 $0x7, s15;
	s17 =	sand.u32 $0x1FC00, s17;
	s20 =	sor.u32 s21, s30;
	[tilespmem:v0+s19+$0xFFFFFFF0 ss:$0x1] =	vst.idx.msk $0xffff, v60  }
0x1c: {  	s16 =	sadd.s32 s4, s16;
	s17 =	sadd.s32 s15, s17;
	s20 =	sshrl.u32 s20, $0x3;
	[tilespmem:v0+s19+$0x0 ss:$0x1] =	vst.idx.msk $0xffff, v61  }
0x1d: {  	s15 =	sshll.u32 s31, $0x12;
	s17 =	sand.u32 $0x1FF80, s17;
	s16 =	sadd.s32 s20, s16;
	[tilespmem:v0+s19+$0x10 ss:$0x1] =	vst.idx.msk $0xffff, v62  }
0x1e: {  	s15 =	sor.u32 $0x400, s15;
	[tilespmem:v0+s19+$0x20 ss:$0x1] =	vst.idx.msk $0xffff, v63;
	s16 =	sadd.s32 s17, s16  }
0x1f: {  	[hbm4b:s16+s15] =	stream.strided.scatter [tilespmem:s18], [sflag:$0x2], $0x4000, s9, s15, $0x38;
	[tilespmem:$0x10000] =	vst v63  }
.LBB1_5:
0x20: {  	s18 =	sadd.s32 $0x200, s11  }
0x21: {  	s15 =	simm.s32 $0x1;
	p1 =	sgt.s32 s18, $0x3FF  }
0x22: {  	s15 =	simm.s32 @!p1 $0x0  }
0x23: {  	s19 =	sadd.s32 s15, s12  }
0x24: {  	s21 =	smov.u32 s13;
	s15 =	sadd.s32 $0x400, s13;
	p2 =	sgt.s32 s19, $0x31  }
0x25: {  	s21 =	smov.u32 @p2 s15  }
0x26: {  	p0 =	slt.u32 s14, $0x2;
	s18 =	smov.u32 @p1 s2;
	p1 =	sgt.s32 s21, $0x3FF  }
0x27: {  	s20 =	simm.s32 @!p0 $0x2;
	s21 =	smov.u32 @p1 s1;
	p1 =	sne.s32 s14, s8  }
.Ltmp1:
0x28: {  	_ =	swait.ge @!p0 [sflag:s20], $0x4000;
	(pc) =	sbr.rel @!p1 .LBB1_6-.Ltmp1, $4  }
0x29: {  	s16 =	smov.u32 s12;
	[sflag:s20] =	ssyncset.done @!p0 $0x0  }
0x2a: {  	s17 =	smov.u32 s13;
	s10 =	sadd.s32 $0x4000, s10;
	[sflag:s20] =	ssyncadd.s32 @!p0 $0xFFFFC000  }
0x2b: {  	s19 =	simm.s32 @p2 $0x0;
	s15 =	smov.u32 s11;
	s11 =	smov.u32 s18  }
0x2c: {  	s12 =	smov.u32 s19;
	s14 =	sadd.s32 $0x1, s14;
	s13 =	smov.u32 s21  }
.LBB1_1:
0x2d: {  	p0 =	sge.u32 s14, s6  }
0x2e: {  	s18 =	sshll.u32 @!p0 s12, $0xA  }
0x2f: {  	s19 =	sshll.u32 @!p0 s11, $0x3;
	s18 =	sand.u32 @!p0 $0xFFFFE000, s18  }
0x30: {  	s18 =	sadd.s32 @!p0 s18, s19  }
0x31: {  	s18 =	sshrl.u32 @!p0 s18, $0xA  }
0x32: {  	s19 =	smulhi.u32 @!p0 $0x4924925, s18  }
0x33: {  	s20 =	sshll.u32 @!p0 s12, $0x7;
	s22 =	smul.u32 @!p0 $0x1C00, s13  }
0x34: {  	s21 =	sand.u32 @!p0 $0x78, s11;
	s20 =	sand.u32 @!p0 $0x380, s20;
	s19 =	smul.u32 @!p0 $0x38, s19  }
0x35: {  	s31 =	sadd.s32 $0xFFFFFFFF, s14;
	s20 =	sor.u32 @!p0 s21, s20;
	s21 =	sadd.s32 @!p0 s7, s22  }
0x36: {  	s20 =	sshrl.u32 @!p0 s20, $0x3;
	s18 =	ssub.s32 @!p0 s18, s19;
	s19 =	sxor.u32 @!p0 $0xFFFFFFFF, s14  }
0x37: {  	s20 =	sadd.s32 @!p0 s20, s21;
	s21 =	sand.u32 @!p0 $0x7, s11;
	s19 =	sshll.u32 @!p0 s19, $0xE  }
0x38: {  	s21 =	sshll.u32 @!p0 s21, $0x12;
	s18 =	sshll.u32 @!p0 s18, $0x7;
	s19 =	sand.u32 @!p0 $0x4000, s19  }
0x39: {  	s18 =	sadd.s32 @!p0 s18, s20;
	s20 =	sor.u32 @!p0 $0x80, s21;
	s21 =	simm.s32 @!p0 $0xE000  }
0x3a: {  	[tilespmem:s19], [sflag:$0x1] =	stream.strided.gather @!p0 [hbm4b:s18+s20], $0x4000, s21, s20, $0x38;
	[tilespmem:$0x10000] =	vst v63  }
0x3b: {  	p0 =	sge.u32 s31, s6  }
.Ltmp2:
0x3c: {  	_ = 	snop;
	(pc) =	sbr.rel @p0 .LBB1_5-.Ltmp2, $1  }
0x3d: {  	_ =	sdelay $0x3  }
0x3e: {  	s18 =	sand.u32 $0x4000, s10  }
0x3f: {  	s19 =	sor.u32 $0x70, s18  }
0x40: {  	v1 =	vmov s19;
	_ =	sdelay $0x1  }
0x41: {  	_ =	swait.ge [sflag:s5], $0x4000  }
0x42: {  	[sflag:s5] =	ssyncset.done $0x0  }
0x43: {  	s20 =	simm.s32 $0x0;
	[sflag:s5] =	ssyncadd.s32 $0xFFFFC000  }
0x44: {  	s18 =	sor.u32 $0x8040, s18;
	v7 =	vld.idx.msk [tilespmem:v1+s20+$0x0 ss:$0x1], $0xffff  }
0x45: {  	v0 =	vmov s18;
	v8 =	vld.idx.msk [tilespmem:v1+s20+$0xFFFFFF90 ss:$0x1], $0xffff  }
0x46: {  	v6 =	vld.idx.msk [tilespmem:v1+s20+$0xFFFFFFA0 ss:$0x1], $0xffff  }
0x47: {  	v4 =	vld.idx.msk [tilespmem:v1+s20+$0xFFFFFFB0 ss:$0x1], $0xffff  }
0x48: {  	v2 =	vld.idx.msk [tilespmem:v1+s20+$0xFFFFFFC0 ss:$0x1], $0xffff  }
0x49: {  	s31 =	sshll.u32 s14, $0xE;
	v3 =	vld.idx.msk [tilespmem:v1+s20+$0xFFFFFFD0 ss:$0x1], $0xffff  }
0x4a: {  	s18 =	sand.u32 $0x4000, s31;
	v5 =	vld.idx.msk [tilespmem:v1+s20+$0xFFFFFFE0 ss:$0x1], $0xffff;
	[tilespmem:v0+s20+$0x30 ss:$0x1] =	vst.idx.msk $0xffff, v7  }
0x4b: {  	s21 =	simm.s32 $0x400;
	s19 =	simm.s32 $0x80;
	s18 =	sor.u32 $0x8000, s18;
	[tilespmem:v0+s20+$0xFFFFFFC0 ss:$0x1] =	vst.idx.msk $0xffff, v8;
	v7 =	vld.idx.msk [tilespmem:v1+s20+$0xFFFFFFF0 ss:$0x1], $0xffff  }
.LBB1_3:
0x4c: {  	p0 =	sne.s32 s21, $0xFE00;
	v8 =	vld.idx.msk [tilespmem:v1+s19+$0x0 ss:$0x1], $0xffff;
	[tilespmem:v0+s20+$0xFFFFFFD0 ss:$0x1] =	vst.idx.msk $0xffff, v6  }
0x4d: {  	v9 =	vld.idx.msk [tilespmem:v1+s19+$0xFFFFFF90 ss:$0x1], $0xffff;
	[tilespmem:v0+s20+$0xFFFFFFE0 ss:$0x1] =	vst.idx.msk $0xffff, v4  }
0x4e: {  	v6 =	vld.idx.msk [tilespmem:v1+s19+$0xFFFFFFA0 ss:$0x1], $0xffff;
	[tilespmem:v0+s20+$0xFFFFFFF0 ss:$0x1] =	vst.idx.msk $0xffff, v2  }
.Ltmp3:
0x4f: {  	v4 =	vld.idx.msk [tilespmem:v1+s19+$0xFFFFFFB0 ss:$0x1], $0xffff;
	[tilespmem:v0+s20+$0x0 ss:$0x1] =	vst.idx.msk $0xffff, v3;
	(pc) =	sbr.rel @p0 .LBB1_3-.Ltmp3, $4  }
0x50: {  	v2 =	vld.idx.msk [tilespmem:v1+s19+$0xFFFFFFC0 ss:$0x1], $0xffff;
	[tilespmem:v0+s20+$0x10 ss:$0x1] =	vst.idx.msk $0xffff, v5  }
0x51: {  	v3 =	vld.idx.msk [tilespmem:v1+s19+$0xFFFFFFD0 ss:$0x1], $0xffff;
	[tilespmem:v0+s20+$0x20 ss:$0x1] =	vst.idx.msk $0xffff, v7;
	s20 =	smov.u32 s19  }
0x52: {  	v5 =	vld.idx.msk [tilespmem:v1+s20+$0xFFFFFFE0 ss:$0x1], $0xffff;
	[tilespmem:v0+s20+$0x30 ss:$0x1] =	vst.idx.msk $0xffff, v8  }
0x53: {  	s19 =	sshra.s32 s21, $0x2;
	s21 =	sadd.s32 $0x200, s21;
	[tilespmem:v0+s20+$0xFFFFFFC0 ss:$0x1] =	vst.idx.msk $0xffff, v9;
	v7 =	vld.idx.msk [tilespmem:v1+s20+$0xFFFFFFF0 ss:$0x1], $0xffff  }
.Ltmp4:
0x54: {  	_ = 	snop;
	(pc) =	sbr.rel .LBB1_4-.Ltmp4, $1  }
0x55: {  	_ =	sdelay $0x3  }
.LBB1_6:
0x56: {  	_ =	sfence.sel $0x180000  }
0x57: {  	s1 =	simm.s32 $0x1;
	[bflag:$0x0] =	sbarrier.arrive $0xFFFF  }
0x58: {  	s31 =	simm.s32 $0x2;
	[sflag:s1] =	ssyncpa.u1 $0x1  }
0x59: {  	[sflag:s31] =	ssyncpa.u1 $0x1  }
0x5a: {  	p0 =	sne.s32 s0, $0x0;
	_ =	strace $0x9000004A  }
0x5b: {  	s0 =	sadd.s32 @!p0 $0x100000, s3;
	[bflag:$0x2] =	sbarrier.arrive $0xFFFF  }
0x5c: {  	[sflag:s0] =	ssyncadd.tile.s32 @!p0 $0x1;
	_ =	shalt  }
.Lfunc_end1:
_tile_overlayer_lowered:
.L_overlay_start_2:
0x5d: {  	(tag) =	ssettag $0x2  }
0x5e: {  	s0 =	rddreg [dreg:$0x0];
	s2 =	stileid.u32  }
0x5f: {  	s1 =	rddreg [dreg:$0x1];
	p0 =	sne.s32 s2, $0x0  }
0x60: {  	s3 =	rddreg [dreg:$0x2];
	[bflag:$0x3] =	sbarrier.arrive $0xFFFF;
	s2 =	simm.s32 @!p0 $0x1C01  }
0x61: {  	[timem:s3], [sflag:s2] =	dma.local @!p0 [hbm:s0], s1  }
0x62: {  	s0 =	simm.s32 @!p0 $0x1  }
0x63: {  	_ =	swait.ge @!p0 [sflag:s0], s1  }
0x64: {  	s1 =	ssub.s32 @!p0 $0x0, s1;
	[sflag:s0] =	ssyncset.done @!p0 $0x0  }
0x65: {  	[sflag:s0] =	ssyncadd.s32 @!p0 s1  }
0x66: {  	[bflag:$0x3] =	sbarrier.arrive $0xFFFF  }
0x67: {  	_ =	shalt  }

</sc_bundles>
